<compile_context>
chip_gen: v7x
topology: tpu7x:2x2x1
jax: 0.10.2.dev20260603
libtpu: 0.0.44.dev20260713+nightly
codegen_flags: <defaults>
</compile_context>

<pallas_src>
import jax
import jax.numpy as jnp
from jax import lax
from jax.experimental import pallas as pl
from jax.experimental.pallas import tpu as pltpu
from jax.experimental.pallas import tpu_sc as plsc

_B, _F, _G, _S = 16384, 208, 26, 8
_NC, _NS, _L = 2, 16, 16
_NJ = _F // _L
_GPAD = 32
_PACK = _F + _GPAD + _F
_BC = 4096



def _sc_weights_body(pack_hbm, w_hbm, pack_v, w_v):
    wid = lax.axis_index("s") * _NC + lax.axis_index("c")

    pltpu.sync_copy(pack_hbm, pack_v)

    zeros = jnp.zeros((_L,), jnp.float32)
    lanes = lax.iota(jnp.int32, _L)

    def _zero_body(j, carry):
        w_v[pl.ds(j * _L, _L)] = zeros
        return carry

    lax.fori_loop(0, _NJ, _zero_body, 0)

    def _chunk_body(j, carry):
        p = lanes + j * _L
        g_ids = lax.shift_right_logical(p, jnp.int32(3))
        wfc_g = plsc.bitcast(
            plsc.load_gather(pack_v, [g_ids + jnp.int32(_F)]), jnp.float32)
        wg = plsc.bitcast(plsc.load_gather(pack_v, [p]), jnp.float32)
        gidx = plsc.load_gather(pack_v, [p + jnp.int32(_F + _GPAD)])
        plsc.addupdate_scatter(w_v, [gidx], wg * wfc_g)
        return carry

    lax.fori_loop(0, _NJ, _chunk_body, 0)

    @pl.when(wid == 0)
    def _():
        pltpu.sync_copy(w_v, w_hbm)


def _sc_weights(pack):
    mesh = plsc.VectorSubcoreMesh(core_axis_name="c", subcore_axis_name="s")
    return pl.kernel(
        _sc_weights_body,
        out_type=jax.ShapeDtypeStruct((_F,), jnp.float32),
        mesh=mesh,
        scratch_types=[
            pltpu.VMEM((_PACK,), jnp.int32),
            pltpu.VMEM((_F,), jnp.float32),
        ],
        compiler_params=pltpu.CompilerParams(needs_layout_passes=False),
    )(pack)



def _tc_matvec_body(w_ref, xT_ref, out_ref):
    out_ref[...] = jnp.sum(xT_ref[...] * w_ref[...], axis=0)


def _tc_matvec(xT, w_col):
    grid = _B // _BC
    return pl.pallas_call(
        _tc_matvec_body,
        grid=(grid,),
        in_specs=[
            pl.BlockSpec((_F, 1), lambda i: (0, 0)),
            pl.BlockSpec((_F, _BC), lambda i: (0, i)),
        ],
        out_specs=pl.BlockSpec((_BC,), lambda i: (i,)),
        out_shape=jax.ShapeDtypeStruct((_B,), jnp.float32),
        compiler_params=pltpu.CompilerParams(
            dimension_semantics=("arbitrary",)),
    )(w_col, xT)


def kernel(x, group_idx, W_g, W_fc):
    wfc = jnp.pad(W_fc.reshape(_G), (0, _GPAD - _G))
    pack = jnp.concatenate([
        lax.bitcast_convert_type(W_g.reshape(_F), jnp.int32),
        lax.bitcast_convert_type(wfc, jnp.int32),
        group_idx.reshape(_F).astype(jnp.int32),
    ])
    w = _sc_weights(pack)
    out = _tc_matvec(x.T, w.reshape(_F, 1))
    return out.reshape(_B, 1)

# --- scband reference (transcript-rebuilt; emitter-appended) ---
"""Pipeline reference for scband-tib-group-lasso-39685497815125 (READ-ONLY COPY).

The authoritative reference and input builder live on the scoring server;
editing this copy changes nothing except your own understanding.
"""

import jax, jax.numpy as jnp
import numpy as np

B = 16384
F = 208
G = 26
S = 8

def setup_inputs(seed: int = 0):
    key = jax.random.key(seed)
    k1, k2 = jax.random.split(key)
    x = jax.random.normal(k1, (B, F), dtype=jnp.float32)
    # group_idx: 26 contiguous groups of 8 feature indices
    group_idx = jnp.arange(F, dtype=jnp.int32).reshape(G, S)
    # GroupConnected weights: one (8,1) weight per group, HeNormal init (fan_in=8)
    W_g = jax.random.normal(k2, (G, S, 1), dtype=jnp.float32) * jnp.sqrt(2.0 / S)
    # fc Dense(units=1, use_bias=False), kernel_initializer=Ones
    W_fc = jnp.ones((G, 1), dtype=jnp.float32)
    return {"x": x, "group_idx": group_idx, "W_g": W_g, "W_fc": W_fc}

def reference(x, group_idx, W_g, W_fc):
    # GroupConnected.call: gather each group's features then per-group matmul with w_i [S,1]
    gathered = jnp.take(x, group_idx, axis=1)  # [B, G, S]
    # stack of matmuls over groups, then squeeze last dim -> [B, G]
    gc_out = jnp.squeeze(jnp.einsum('bgs,gso->bgo', gathered, W_g), axis=-1)
    # TibGroupLasso.call: fc(gc(input)) -> Dense units=1, no bias
    out = gc_out @ W_fc  # [B, 1]
    return out

if __name__ == "__main__":
    import jax
    _d = setup_inputs()
    print(jax.jit(kernel)(*tuple(_d.values())))

</pallas_src>

<mosaic_0001>
#map = affine_map<(d0, d1) -> (0)>
module attributes {stable_mosaic.version = 14 : i64} {
  func.func @_sc_weights_body(%arg0: i32, %arg1: i32, %arg2: memref<448xi32, #tpu.memory_space<hbm>>, %arg3: memref<208xf32, #tpu.memory_space<hbm>>, %arg4: memref<448xi32, #tpu.memory_space<vmem>>, %arg5: memref<208xf32, #tpu.memory_space<vmem>>) attributes {dimension_semantics = [#tpu.dimension_semantics<core_parallel>, #tpu.dimension_semantics<subcore_parallel>], iteration_bounds = array<i64: 2, 16>, scalar_prefetch = 0 : i64, scratch_operands = 2 : i64, tpu.core_type = #tpu.core_type<sc_vector_subcore>, window_params = [{transform_indices = #map}, {transform_indices = #map}]} {
    %mul3A = arith.constant 2 : i32
    %mul3A_0 = arith.muli %arg1, %mul3A : i32
    %add3A = arith.addi %mul3A_0, %arg0 : i32
    "tpu.region"() ({
      %run_scoped3A = tpu.sem_alloc : memref<!tpu.dma_semaphore, #tpu.memory_space<semaphore_mem>>
      tpu.enqueue_dma source(%arg2 : memref<448xi32, #tpu.memory_space<hbm>>) target(%arg4 : memref<448xi32, #tpu.memory_space<vmem>>) target_semaphore(%run_scoped3A : memref<!tpu.dma_semaphore, #tpu.memory_space<semaphore_mem>>)
      tpu.wait_dma2 semaphore(%run_scoped3A : memref<!tpu.dma_semaphore, #tpu.memory_space<semaphore_mem>>) src(%arg2 : memref<448xi32, #tpu.memory_space<hbm>>) dst(%arg4 : memref<448xi32, #tpu.memory_space<vmem>>)
      tpu.yield
    }) : () -> ()
    %broadcast_in_dim3A = arith.constant 0.000000e+00 : f32
    %broadcast_in_dim3A_1 = vector.broadcast %broadcast_in_dim3A : f32 to vector<16xf32>
    %iota3A = tpu.iota {dimensions = array<i32: 0>} : vector<16xi32>
    %scan3A = arith.constant 0 : i32
    %scan3A_2 = arith.constant 0 : i32
    %scan3A_3 = arith.constant 13 : i32
    %scan3A_4 = arith.addi %scan3A_2, %scan3A_3 : i32
    %scan3A_5 = arith.constant 1 : i32
    scf.for %scan3A_15 = %scan3A_2 to %scan3A_4 step %scan3A_5  : i32 {
      %mul3A_16 = arith.constant 16 : i32
      %mul3A_17 = arith.muli %scan3A_15, %mul3A_16 : i32
      %swap3A = arith.index_cast %mul3A_17 : i32 to index
      %swap3A_18 = tpu.vector_load %arg5[%swap3A] {strides = array<i32>} : memref<208xf32, #tpu.memory_space<vmem>>, vector<16xf32>,
      tpu.vector_store %arg5[%swap3A], %broadcast_in_dim3A_1 {strides = array<i32>} : memref<208xf32, #tpu.memory_space<vmem>>, vector<16xf32>,
    }
    %scan3A_6 = arith.constant 13 : i32
    %scan3A_7 = arith.constant 0 : i32
    %scan3A_8 = arith.constant 0 : i32
    %scan3A_9 = arith.constant 13 : i32
    %scan3A_10 = arith.addi %scan3A_8, %scan3A_9 : i32
    %scan3A_11 = arith.constant 1 : i32
    scf.for %scan3A_15 = %scan3A_8 to %scan3A_10 step %scan3A_11  : i32 {
      %mul3A_16 = arith.constant 16 : i32
      %mul3A_17 = arith.muli %scan3A_15, %mul3A_16 : i32
      %add3A_18 = vector.broadcast %mul3A_17 : i32 to vector<16xi32>
      %add3A_19 = arith.addi %iota3A, %add3A_18 : vector<16xi32>
      %shift_right_logical3A = arith.constant 3 : i32
      %shift_right_logical3A_20 = vector.broadcast %shift_right_logical3A : i32 to vector<16xi32>
      %shift_right_logical3A_21 = arith.shrui %add3A_19, %shift_right_logical3A_20 : vector<16xi32>
      %add3A_22 = arith.constant 208 : i32
      %add3A_23 = vector.broadcast %add3A_22 : i32 to vector<16xi32>
      %add3A_24 = arith.addi %shift_right_logical3A_21, %add3A_23 : vector<16xi32>
      %gather3A = tpu.vector_load_idx %arg4[%add3A_24] : memref<448xi32, #tpu.memory_space<vmem>>[vector<16xi32>], vector<16xi32>,
      %bitcast3A = vector.bitcast %gather3A : vector<16xi32> to vector<16xf32>
      %gather3A_25 = tpu.vector_load_idx %arg4[%add3A_19] : memref<448xi32, #tpu.memory_space<vmem>>[vector<16xi32>], vector<16xi32>,
      %bitcast3A_26 = vector.bitcast %gather3A_25 : vector<16xi32> to vector<16xf32>
      %add3A_27 = arith.constant 240 : i32
      %add3A_28 = vector.broadcast %add3A_27 : i32 to vector<16xi32>
      %add3A_29 = arith.addi %add3A_19, %add3A_28 : vector<16xi32>
      %gather3A_30 = tpu.vector_load_idx %arg4[%add3A_29] : memref<448xi32, #tpu.memory_space<vmem>>[vector<16xi32>], vector<16xi32>,
      %mul3A_31 = arith.mulf %bitcast3A_26, %bitcast3A : vector<16xf32>
      tpu.vector_store_idx %arg5[%gather3A_30], %mul3A_31 {add = true} : memref<208xf32, #tpu.memory_space<vmem>>[vector<16xi32>], vector<16xf32>,
    }
    %scan3A_12 = arith.constant 13 : i32
    %eq3A = arith.constant 0 : i32
    %eq3A_13 = arith.cmpi eq, %add3A, %eq3A : i32
    %convert_element_type3A = arith.extui %eq3A_13 : i1 to i32
    %cond3A = arith.constant 0 : i32
    %cond3A_14 = arith.cmpi ne, %convert_element_type3A, %cond3A : i32
    scf.if %cond3A_14 {
      "tpu.region"() ({
        %run_scoped3A = tpu.sem_alloc : memref<!tpu.dma_semaphore, #tpu.memory_space<semaphore_mem>>
        tpu.enqueue_dma source(%arg5 : memref<208xf32, #tpu.memory_space<vmem>>) target(%arg3 : memref<208xf32, #tpu.memory_space<hbm>>) target_semaphore(%run_scoped3A : memref<!tpu.dma_semaphore, #tpu.memory_space<semaphore_mem>>)
        tpu.wait_dma2 semaphore(%run_scoped3A : memref<!tpu.dma_semaphore, #tpu.memory_space<semaphore_mem>>) src(%arg5 : memref<208xf32, #tpu.memory_space<vmem>>) dst(%arg3 : memref<208xf32, #tpu.memory_space<hbm>>)
        tpu.yield
      }) : () -> ()
    } else {
    }
    return
  }
}

module attributes {stable_mosaic.version = 14 : i64} {
  func.func @_tc_matvec_body(%arg0: i32, %arg1: memref<208x1xf32, #tpu.memory_space<vmem>>, %arg2: memref<208x4096xf32, #tpu.memory_space<vmem>>, %arg3: memref<4096xf32, #tpu.memory_space<vmem>>) attributes {dimension_semantics = [#tpu.dimension_semantics<arbitrary>], iteration_bounds = array<i64: 4>, scalar_prefetch = 0 : i64, scratch_operands = 0 : i64, tpu.core_type = #tpu.core_type<tc>, window_params = [{pipeline_mode = #tpu.pipeline_mode<synchronous>, transform_indices = @transform_0, window_bounds = array<i64: 208, 1>}, {transform_indices = @transform_1, window_bounds = array<i64: 208, 4096>}, {transform_indices = @transform_2, window_bounds = array<i64: 4096>}]} {
    %get3A = arith.constant 0 : index
    %get3A_0 = arith.constant 0 : index
    %get3A_1 = vector.load %arg2[%get3A, %get3A_0] : memref<208x4096xf32, #tpu.memory_space<vmem>>, vector<208x4096xf32>
    %get3A_2 = arith.constant 0 : index
    %get3A_3 = arith.constant 0 : index
    %get3A_4 = vector.load %arg1[%get3A_2, %get3A_3] : memref<208x1xf32, #tpu.memory_space<vmem>>, vector<208x1xf32>
    %mul3A = vector.broadcast %get3A_4 : vector<208x1xf32> to vector<208x4096xf32>
    %mul3A_5 = arith.mulf %get3A_1, %mul3A : vector<208x4096xf32>
    %reduce_sum3A = arith.constant dense<0.000000e+00> : vector<4096xf32>
    %reduce_sum3A_6 = vector.multi_reduction <add>, %mul3A_5, %reduce_sum3A [0] : vector<208x4096xf32> to vector<4096xf32>
    %swap3A = arith.constant 0 : index
    %swap3A_7 = vector.load %arg3[%swap3A] : memref<4096xf32, #tpu.memory_space<vmem>>, vector<4096xf32>
    tpu.vector_store %arg3[%swap3A], %reduce_sum3A_6 {strides = array<i32>} : memref<4096xf32, #tpu.memory_space<vmem>>, vector<4096xf32>,
    return
  }
  func.func @transform_0(%arg0: i32) -> (i32, i32) {
    %c0_i32 = arith.constant 0 : i32
    %c0_i32_0 = arith.constant 0 : i32
    %c0_i32_1 = arith.constant 0 : i32
    return %c0_i32, %c0_i32_0 : i32, i32
  }
  func.func @transform_1(%arg0: i32) -> (i32, i32) {
    %c0_i32 = arith.constant 0 : i32
    %c0_i32_0 = arith.constant 0 : i32
    return %c0_i32, %arg0 : i32, i32
  }
  func.func @transform_2(%arg0: i32) -> i32 {
    %c0_i32 = arith.constant 0 : i32
    return %arg0 : i32
  }
}

</mosaic_0001>

<sc_bundles>
// kernel: kernel.4.cloned.1.call-start
scs
__scs_entry_jumppad:
0x0: {  	(pc) =	sbr.rel $0x88, $3  }
0x1: {  	(tag) =	ssettag $0x0;
	lr =	simm.s32 $0x1  }
0x2: {  	[smem:$0x3F9D] =	sst lr;
	_ =	strace $0xD0000000  }
0x3: {  	_ = 	snop  }
0x4: {  	_ = 	snop  }
0x5: {  	_ = 	snop  }
0x6: {  	_ = 	snop  }
0x7: {  	_ = 	snop  }
__scs_overlays_trampoline_lowered:
0x8: {  	[smem:$0x3FAC] =	sst s0  }
0x9: {  	[smem:$0x3FAD] =	sst s1  }
0xa: {  	[smem:$0x3FAE] =	sst s2  }
0xb: {  	[smem:$0x3FAF] =	sst s3  }
0xc: {  	[smem:$0x3FB0] =	sst s4  }
0xd: {  	[smem:$0x3FB1] =	sst s5  }
0xe: {  	[smem:$0x3FB2] =	sst s6  }
0xf: {  	[smem:$0x3FB3] =	sst s7  }
0x10: {  	[smem:$0x3FB4] =	sst s8  }
0x11: {  	[smem:$0x3FB5] =	sst s9;
	s0 =	simm.s32 @!p0 $0x0  }
0x12: {  	s1 =	sld [smem:$0x3F9B];
	s0 =	simm.s32 @p0 $0x1  }
0x13: {  	[smem:$0x3FB6] =	sst s0;
	s0 =	simm.s32 @!p1 $0x0  }
0x14: {  	s2 =	sld [smem:$0x3F9A];
	s0 =	simm.s32 @p1 $0x1  }
0x15: {  	[smem:$0x3FB7] =	sst s0;
	s0 =	simm.s32 @!p2 $0x0  }
0x16: {  	s3 =	sld [smem:$0x3FDB];
	s0 =	simm.s32 @p2 $0x1  }
0x17: {  	s4 =	simm.s32 $0x1BF5;
	[smem:$0x3FB9] =	sst s0  }
0x18: {  	s0 =	sld [smem:$0x3F9C];
	_ =	swait.ge [sflag:s4], $0x0  }
0x19: {  	s7 =	sld [smem:$0x3F9D]  }
0x1a: {  	s8 =	sadd.s32 $0xFFFFE003, lr  }
0x1b: {  	s9 =	sadd.s32 $0xFFFFFEF7, lr;
	s5 =	simm.s32 $0xFFFFFFFF;
	p2 =	slt.u32 s8, $0xFFFFF086  }
0x1c: {  	p1 =	slt.u32 s9, $0xF7A;
	s5 =	simm.s32 @!p2 $0x0  }
0x1d: {  	s5 =	simm.s32 @p1 $0x1;
	p0 =	seq.s32 s7, s2  }
0x1e: {  	s7 =	smul.u32 @!p0 $0xF7A, s2;
	p2 =	seq.s32 @!p0 s5, $0x0  }
0x1f: {  	s9 =	smul.u32 $0xF7A, s1;
	s8 =	simm.s32 @!p0 $0x1BF5;
	p2 =	por !p2, p0  }
0x20: {  	[sflag:s8] =	ssyncset.s32 @!p0 $0xFFFFF086;
	s6 =	sadd.s32 @!p0 s3, s7;
	s7 =	simm.s32 @!p0 $0x108  }
0x21: {  	s3 =	sadd.s32 s3, s9;
	s6 =	sadd.s32 @!p0 $0x88, s6;
	s7 =	simm.s32 @p2 $0x1082  }
0x22: {  	[simem:s7], [sflag:s8] =	dma.local @!p0 [hbm:s6], $0xF7A  }
0x23: {  	s9 =	sor.u32 $0xD0000000, s2;
	s6 =	simm.s32 $0x108;
	_ =	swait.ge @!p0 [sflag:s8], $0x0  }
0x24: {  	s3 =	sadd.s32 $0x88, s3;
	s6 =	simm.s32 @!p1 $0x1082;
	[sflag:s4] =	ssyncset.s32 $0xFFFFF086  }
0x25: {  	[simem:s6], [sflag:s4] =	dma.local [hbm:s3], $0xF7A  }
0x26: {  	[smem:$0x3F9D] =	sst s1;
	(tag) =	ssettag s2;
	_ =	strace s9  }
0x27: {  	s1 =	sld [smem:$0x3FAD]  }
0x28: {  	s2 =	sld [smem:$0x3FAE]  }
0x29: {  	s4 =	sld [smem:$0x3FB0]  }
0x2a: {  	p0 =	seq.s32 s5, $0x0;
	s5 =	sld [smem:$0x3FB1]  }
0x2b: {  	s6 =	sld [smem:$0x3FB2]  }
0x2c: {  	s7 =	sld [smem:$0x3FB3]  }
0x2d: {  	s3 =	simm.s32 $0x108;
	s8 =	sld [smem:$0x3FB4]  }
0x2e: {  	s3 =	simm.s32 @!p0 $0x1082;
	s9 =	sld [smem:$0x3FB5]  }
0x2f: {  	lr =	sadd.s32 s0, s3;
	s0 =	sld [smem:$0x3FAC]  }
0x30: {  	s3 =	sld [smem:$0x3FAF]  }
0x31: {  	[smem:$0x3FB8] =	sst s10  }
0x32: {  	s10 =	sld [smem:$0x3FB6];
	_ =	sdelay $0x3  }
0x33: {  	p0 =	seq.s32 s10, $0x1;
	s10 =	sld [smem:$0x3FB8];
	_ =	sdelay $0x3  }
0x34: {  	[smem:$0x3FB8] =	sst s10  }
0x35: {  	s10 =	sld [smem:$0x3FB7];
	_ =	sdelay $0x3  }
0x36: {  	p1 =	seq.s32 s10, $0x1;
	s10 =	sld [smem:$0x3FB8];
	_ =	sdelay $0x3  }
0x37: {  	[smem:$0x3FB8] =	sst s10  }
0x38: {  	s10 =	sld [smem:$0x3FB9]  }
0x39: {  	_ = 	snop;
	(pc) =	sbr.ind lr, $3  }
0x3a: {  	_ = 	snop  }
0x3b: {  	_ = 	snop  }
0x3c: {  	p2 =	seq.s32 s10, $0x1;
	s10 =	sld [smem:$0x3FB8]  }
0x3d: {  	_ =	shalt  }
0x3e: {  	_ =	shalt  }
0x3f: {  	_ =	shalt  }
0x40: {  	_ =	shalt  }
0x41: {  	_ =	shalt  }
0x42: {  	_ =	shalt  }
0x43: {  	_ =	shalt  }
0x44: {  	_ =	shalt  }
0x45: {  	_ =	shalt  }
0x46: {  	_ =	shalt  }
0x47: {  	_ =	shalt  }
0x48: {  	_ =	shalt  }
0x49: {  	_ =	shalt  }
0x4a: {  	_ =	shalt  }
0x4b: {  	_ =	shalt  }
0x4c: {  	_ =	shalt  }
0x4d: {  	_ =	shalt  }
0x4e: {  	_ =	shalt  }
0x4f: {  	_ =	shalt  }
0x50: {  	_ =	shalt  }
0x51: {  	_ =	shalt  }
0x52: {  	_ =	shalt  }
0x53: {  	_ =	shalt  }
0x54: {  	_ =	shalt  }
0x55: {  	_ =	shalt  }
0x56: {  	_ =	shalt  }
0x57: {  	_ =	shalt  }
0x58: {  	_ =	shalt  }
0x59: {  	_ =	shalt  }
0x5a: {  	_ =	shalt  }
0x5b: {  	_ =	shalt  }
0x5c: {  	_ =	shalt  }
0x5d: {  	_ =	shalt  }
0x5e: {  	_ =	shalt  }
0x5f: {  	_ =	shalt  }
0x60: {  	_ =	shalt  }
0x61: {  	_ =	shalt  }
0x62: {  	_ =	shalt  }
0x63: {  	_ =	shalt  }
0x64: {  	_ =	shalt  }
0x65: {  	_ =	shalt  }
0x66: {  	_ =	shalt  }
0x67: {  	_ =	shalt  }
0x68: {  	_ =	shalt  }
0x69: {  	_ =	shalt  }
0x6a: {  	_ =	shalt  }
0x6b: {  	_ =	shalt  }
0x6c: {  	_ =	shalt  }
0x6d: {  	_ =	shalt  }
0x6e: {  	_ =	shalt  }
0x6f: {  	_ =	shalt  }
0x70: {  	_ =	shalt  }
0x71: {  	_ =	shalt  }
0x72: {  	_ =	shalt  }
0x73: {  	_ =	shalt  }
0x74: {  	_ =	shalt  }
0x75: {  	_ =	shalt  }
0x76: {  	_ =	shalt  }
0x77: {  	_ =	shalt  }
0x78: {  	_ =	shalt  }
0x79: {  	_ =	shalt  }
0x7a: {  	_ =	shalt  }
0x7b: {  	_ =	shalt  }
0x7c: {  	_ =	shalt  }
0x7d: {  	_ =	shalt  }
0x7e: {  	_ =	shalt  }
0x7f: {  	_ =	shalt  }
0x80: {  	_ =	shalt  }
0x81: {  	_ =	shalt  }
0x82: {  	_ =	shalt  }
0x83: {  	_ =	shalt  }
0x84: {  	_ =	shalt  }
0x85: {  	_ =	shalt  }
0x86: {  	_ =	shalt  }
0x87: {  	_ =	shalt  }
.Lfunc_end0:
.L_simem_size_0:
called_computation_lowered:
.L_overlay_start_0:
0x88: {  	s2 =	sld [smem:$0x3FD9]  }
0x89: {  	s3 =	sld [smem:$0x3FFE];
	_ =	sdelay $0x1  }
0x8a: {  	s1 =	srdreg.scid  }
0x8b: {  	s0 =	sand.u32 $0x1, s1  }
0x8c: {  	s17 =	sshll.u32 s0, $0xA;
	s2 =	sadd.s32 s3, s2  }
0x8d: {  	s2 =	sadd.s32 s2, s17  }
0x8e: {  	[smem:$0x3FC4] =	sst s2  }
0x8f: {  	_ = 	snop  }
0x90: {  	s2 =	sld [smem:$0x3FD0];
	(tm) =	ssettm $0x1  }
0x91: {  	s18 =	sld [smem:$0x3FFB];
	_ =	sdelay $0x3  }
0x92: {  	_ =	strace s18  }
0x93: {  	s3 =	sld [smem:$0x3FFC];
	_ =	sdelay $0x3  }
0x94: {  	_ =	strace s3  }
0x95: {  	s3 =	sld [smem:$0x3FFD];
	_ =	sdelay $0x3  }
0x96: {  	_ =	strace s3  }
0x97: {  	_ =	strace $0x8FFFFFFF  }
0x98: {  	s19 =	sld [smem:$0x3FDB];
	_ =	sdelay $0x1  }
0x99: {  	s4 =	simm.s32 $_scs_section_size  }
0x9a: {  	s5 =	simm.s32 $_size__tile_overlayer_lowered;
	s6 =	simm.s32 $_tile_overlayer_lowered  }
0x9b: {  	s22 =	simm.s32 $0x1BFF;
	s21 =	sshll.u32 s6, $0x1;
	s3 =	sadd.s32 s4, s19  }
0x9c: {  	s7 =	simm.s32 $0x0;
	s20 =	sshll.u32 s5, $0x1;
	s5 =	sadd.s32 s21, s3  }
0x9d: {  	[timem:s7], [sflag:s22] =	dma.local [hbm:s5], s20  }
0x9e: {  	_ =	swait.ge [sflag:s22], s20  }
0x9f: {  	s4 =	ssub.s32 $0x0, s20;
	[sflag:s22] =	ssyncset.done $0x0  }
0xa0: {  	[sflag:s22] =	ssyncadd.s32 s4;
	_ =	sdelay $0x1  }
0xa1: {  	s23 =	simm.s32 $0x1B8B  }
0xa2: {  	_ =	swait.ge [sflag:s23], $0x1  }
0xa3: {  	[sflag:s23] =	ssyncset.done $0x0  }
0xa4: {  	s25 =	simm.s32 $0x1B8E;
	s24 =	sld [smem:$0x3FFE];
	[sflag:s23] =	ssyncadd.s32 $0xFFFFFFFF  }
0xa5: {  	s26 =	simm.s32 $execute0_lowered;
	[smem:$0x3FD2] =	sst s25  }
0xa6: {  	s5 =	sshll.u32 s26, $0x1;
	_ =	strace $0x80000046;
	[dreg:$0x1] =	wrdreg $0xFFFFFFFF  }
0xa7: {  	s28 =	simm.s32 $_size_execute0_lowered;
	s3 =	sadd.s32 s3, s5;
	[dreg:$0x0] =	wrdreg $0x0  }
0xa8: {  	s5 =	sshll.u32 s28, $0x1;
	[dreg:$0x2] =	wrdreg s3  }
0xa9: {  	[dreg:$0x3] =	wrdreg s5  }
0xaa: {  	[dreg:$0x4] =	wrdreg $0xC0  }
0xab: {  	_ =	task [dreg:s7], $0x5FFFF  }
0xac: {  	[dreg:$0x1] =	wrdreg $0xFFFFFFFF  }
0xad: {  	[dreg:$0x0] =	wrdreg $0x60  }
0xae: {  	[dreg:$0x2] =	wrdreg s2  }
0xaf: {  	[dreg:$0x3] =	wrdreg s24  }
0xb0: {  	[dreg:$0x4] =	wrdreg $0x9  }
0xb1: {  	_ =	task.clear_ibuf [dreg:s7], $0x5FFFF;
	_ =	strace $0x90000046  }
0xb2: {  	s29 =	simm.s32 $0x9;
	_ =	strace $0x80000048  }
0xb3: {  	_ =	swait.ge [sflag:s29], $0x1  }
0xb4: {  	[sflag:s29] =	ssyncadd.s32 $0xFFFFFFFF  }
0xb5: {  	_ =	strace $0x90000048  }
0xb6: {  	_ =	sfence  }
0xb7: {  	s30 =	sld [smem:$0x0];
	_ =	sdelay $0x2  }
0xb8: {  	s31 =	sshll.u32 s1, $0xD;
	s1 =	sshrl.u32 s1, $0x2  }
0xb9: {  	s3 =	sand.u32 $0x4000, s31;
	s1 =	sadd.s32 s1, s30  }
0xba: {  	s0 =	sor.u32 s3, s0;
	s1 =	sshll.u32 s1, $0x11  }
0xbb: {  	s0 =	sor.u32 s1, s0  }
0xbc: {  	s0 =	sadd.s32 $0x8F2B, s0  }
0xbd: {  	[sflag:s0] =	ssyncadd.remote.s32 $0x1  }
0xbe: {  	_ =	sfence.sel $0xFFFF  }
0xbf: {  	[dreg:$0x0] =	wrdreg $0xFFFFFFFF;
	(pc) =	sbr.abs _section_cstart, $3  }
0xc0: {  	[dreg:$0x1] =	wrdreg $0xFFFFFFFF  }
0xc1: {  	_ =	task.clear_ibuf [dreg:s7], $0x2FFFF;
	_ =	strace $0x9FFFFFFF  }
0xc2: {  	(tm) =	ssettm $0x7FFFFFFF  }
0xc3: {  	_ =	shalt  }
tec
execute0_lowered:
.L_overlay_start_1:
0x0: {  	(tag) =	ssettag $0x1  }
0x1: {  	s1 =	rddreg [dreg:$0x0]  }
0x2: {  	s2 =	rddreg [dreg:$0x1]  }
0x3: {  	s3 =	srdreg.scid;
	s0 =	rddreg [dreg:$0x2]  }
0x4: {  	_ =	strace $0x80000047;
	s7 =	simm.s32 $0x200;
	s4 =	sand.u32 $0x1, s3  }
0x5: {  	s3 =	sadd.s32 $0x600, s2;
	s2 =	stileid.u32;
	s5 =	ssub.s32 $0x2, s4  }
0x6: {  	s8 =	sshll.u32 s2, $0x1;
	s9 =	ssub.s32 $0x0, s4;
	s6 =	sshrl.u32 s5, $0x1  }
0x7: {  	v0 =	vlaneseq.u32;
	p0 =	sne.s32 s8, s9;
	s8 =	simm.s32 $0x0;
	s5 =	ssub.s32 s5, s6  }
0x8: {  	v1 =	vimm.f32 $0.0e+00;
	v2 =	vor.u32 $0xF0, v0;
	s6 =	simm.s32 $0x1;
	s4 =	smax.u32 s5, $0x1;
	s5 =	simm.s32 $0x0  }
.LBB2_1:
0x9: {  	[tilespmem:s5], [sflag:$0x1] =	stream.linear.gather [hbm4b:s1+s5], $0x200, $0x38;
	[tilespmem:$0x300] =	vst v63  }
0xa: {  	_ =	swait.ge [sflag:s6], $0x200  }
0xb: {  	[sflag:s6] =	ssyncset.done $0x0  }
0xc: {  	[sflag:s6] =	ssyncadd.s32 $0xFFFFFE00  }
0xd: {  	[tilespmem:$0x200] =	vst v1  }
0xe: {  	[tilespmem:$0x210] =	vst v1  }
0xf: {  	[tilespmem:$0x220] =	vst v1  }
0x10: {  	[tilespmem:$0x230] =	vst v1  }
0x11: {  	[tilespmem:$0x240] =	vst v1  }
0x12: {  	[tilespmem:$0x250] =	vst v1  }
0x13: {  	[tilespmem:$0x260] =	vst v1  }
0x14: {  	[tilespmem:$0x270] =	vst v1  }
0x15: {  	v4 =	vor.u32 s5, v0;
	v3 =	vadd.s32 s5, v2;
	[tilespmem:$0x280] =	vst v1  }
0x16: {  	v5 =	vshrl.u32 v4, $0x3;
	[tilespmem:$0x290] =	vst v1  }
0x17: {  	v6 =	vadd.s32 $0xD0, v5;
	[tilespmem:$0x2A0] =	vst v1  }
0x18: {  	[tilespmem:$0x2B0] =	vst v1  }
0x19: {  	[tilespmem:$0x2C0] =	vst v1  }
0x1a: {  	v3 =	vld.idx.msk [tilespmem:v3+s5+$0x0], $0xffff  }
0x1b: {  	v5 =	vld.idx.msk [tilespmem:v4+s5+$0x0], $0xffff  }
0x1c: {  	v6 =	vld.idx.msk [tilespmem:v6+s5+$0x0], $0xffff;
	_ =	sdelay $0x1  }
0x1d: {  	s9 =	simm.s32 $0x10  }
0x1e: {  	v7 =	vadd.s32 s9, v2;
	v4 =	vor.u32 s9, v0;
	s9 =	simm.s32 $0x20  }
.LBB2_2:
0x1f: {  	p1 =	sne.s32 s9, $0xC0;
	v8 =	vshrl.u32 v4, $0x3  }
0x20: {  	v5 =	vmul.f32 v5, v6;
	v8 =	vadd.s32 $0xD0, v8;
	_ =	sdelay $0x1  }
0x21: {  	[tilespmem:v3+s7+$0x0] =	vst.idx.add.f32.msk $0xffff, v5  }
0x22: {  	v3 =	vld.idx.msk [tilespmem:v7+s5+$0x0], $0xffff  }
0x23: {  	v5 =	vld.idx.msk [tilespmem:v4+s5+$0x0], $0xffff  }
.Ltmp0:
0x24: {  	v6 =	vld.idx.msk [tilespmem:v8+s5+$0x0], $0xffff;
	(pc) =	sbr.rel @p1 .LBB2_2-.Ltmp0, $2  }
0x25: {  	_ =	sdelay $0x2  }
0x26: {  	v7 =	vadd.s32 s9, v2;
	v4 =	vor.u32 s9, v0;
	s9 =	sadd.s32 $0x10, s9  }
0x27: {  	_ = 	snop  }
0x28: {  	v8 =	vshrl.u32 v4, $0x3  }
0x29: {  	v5 =	vmul.f32 v5, v6;
	v8 =	vadd.s32 $0xD0, v8;
	_ =	sdelay $0x1  }
0x2a: {  	[tilespmem:v3+s7+$0x0] =	vst.idx.add.f32.msk $0xffff, v5  }
0x2b: {  	v3 =	vld.idx.msk [tilespmem:v7+s5+$0x0], $0xffff  }
0x2c: {  	v63 =	vld.idx.msk [tilespmem:v4+s5+$0x0], $0xffff  }
0x2d: {  	v5 =	vld.idx.msk [tilespmem:v8+s5+$0x0], $0xffff;
	_ =	sdelay $0x4  }
0x2e: {  	v4 =	vmul.f32 v63, v5  }
0x2f: {  	s8 =	sadd.s32 $0x1, s8  }
0x30: {  	s9 =	simm.s32 @!p0 $0x0;
	s10 =	simm.s32 @!p0 $0x200;
	p1 =	sne.s32 s8, s4;
	[tilespmem:v3+s7+$0x0] =	vst.idx.add.f32.msk $0xffff, v4  }
0x31: {  	[hbm4b:s3+s9] =	stream.linear.scatter @!p0 [tilespmem:s10], [sflag:$0x1], $0x100, $0x38;
	[tilespmem:$0x300] =	vst v63  }
.Ltmp1:
0x32: {  	_ = 	snop;
	(pc) =	sbr.rel @p1 .LBB2_1-.Ltmp1, $4  }
0x33: {  	s9 =	simm.s32 @!p0 $0x1  }
0x34: {  	_ =	swait.ge @!p0 [sflag:s9], $0x100  }
0x35: {  	[sflag:s9] =	ssyncset.done @!p0 $0x0  }
0x36: {  	[sflag:s9] =	ssyncadd.s32 @!p0 $0xFFFFFF00  }
0x37: {  	_ =	sfence.sel $0x180000  }
0x38: {  	[bflag:$0x0] =	sbarrier.arrive $0xFFFF  }
0x39: {  	p0 =	sne.s32 s2, $0x0;
	_ =	strace $0x90000047  }
0x3a: {  	s0 =	sadd.s32 @!p0 $0x100000, s0;
	[bflag:$0x2] =	sbarrier.arrive $0xFFFF  }
0x3b: {  	[sflag:s0] =	ssyncadd.tile.s32 @!p0 $0x1;
	_ =	shalt  }
.Lfunc_end2:
_tile_overlayer_lowered:
.L_overlay_start_2:
0x3c: {  	(tag) =	ssettag $0x2  }
0x3d: {  	s0 =	rddreg [dreg:$0x0];
	s2 =	stileid.u32  }
0x3e: {  	s1 =	rddreg [dreg:$0x1];
	p0 =	sne.s32 s2, $0x0  }
0x3f: {  	s3 =	rddreg [dreg:$0x2];
	[bflag:$0x3] =	sbarrier.arrive $0xFFFF;
	s2 =	simm.s32 @!p0 $0x1C01  }
0x40: {  	[timem:s3], [sflag:s2] =	dma.local @!p0 [hbm:s0], s1  }
0x41: {  	s0 =	simm.s32 @!p0 $0x1  }
0x42: {  	_ =	swait.ge @!p0 [sflag:s0], s1  }
0x43: {  	s1 =	ssub.s32 @!p0 $0x0, s1;
	[sflag:s0] =	ssyncset.done @!p0 $0x0  }
0x44: {  	[sflag:s0] =	ssyncadd.s32 @!p0 s1  }
0x45: {  	[bflag:$0x3] =	sbarrier.arrive $0xFFFF  }
0x46: {  	_ =	shalt  }

</sc_bundles>
